<compile_context>
chip_gen: v7x
topology: tpu7x:2x2x1
jax: 0.10.2.dev20260603
libtpu: 0.0.44.dev20260713+nightly
codegen_flags: <defaults>
</compile_context>

<pallas_src>
import functools

import jax
import jax.numpy as jnp
from jax import lax
from jax.experimental import pallas as pl
from jax.experimental.pallas import tpu as pltpu
from jax.experimental.pallas import tpu_sc as plsc

B = 16384
F = 26
NFEAT = 1000000
NC = 2
NS = 16
NW = NC * NS
BPW = B // NW
CHUNK = BPW * F
L = 16
JB = BPW // L
TPAD = NFEAT + (-NFEAT % 1024)
F0 = F // 2


def _make_sc_kernel():
    mesh = plsc.VectorSubcoreMesh(core_axis_name="c", subcore_axis_name="s")

    @functools.partial(
        pl.kernel,
        out_type=jax.ShapeDtypeStruct((B,), jnp.float32),
        mesh=mesh,
        compiler_params=pltpu.CompilerParams(
            needs_layout_passes=False, use_tc_tiling_on_sc=False),
        scratch_types=[
            pltpu.VMEM((F, BPW), jnp.int32),
            pltpu.VMEM((F0 * BPW + L,), jnp.int32),
            pltpu.VMEM(((F - F0) * BPW,), jnp.int32),
            pltpu.VMEM((F0 * BPW + L,), jnp.float32),
            pltpu.VMEM(((F - F0) * BPW,), jnp.float32),
            pltpu.VMEM((F, BPW), jnp.float32),
            pltpu.VMEM((BPW,), jnp.float32),
            pltpu.VMEM_SHARED((TPAD,), jnp.float32),
            pltpu.SemaphoreType.DMA,
            pltpu.SemaphoreType.DMA,
            pltpu.SemaphoreType.DMA,
        ],
    )
    def body(idsT_hbm, valsT_hbm, table_hbm, out_hbm,
             idr_v, idf0_v, idf1_v, g0_v, g1_v, val_v, out_v, tab_sh,
             gsem, vsem, tsem):
        sid = lax.axis_index("s")
        w = sid * NC + lax.axis_index("c")
        cols = pl.ds(w * BPW, BPW)

        vcp = pltpu.async_copy(valsT_hbm.at[:, cols], val_v, vsem)
        seg = TPAD // NS
        tseg = pl.ds(sid * seg, seg)
        tcp = pltpu.async_copy(table_hbm.at[tseg], tab_sh.at[tseg], tsem)
        pltpu.sync_copy(idsT_hbm.at[:, cols], idr_v)

        n0 = F0 * BPW

        def build0(c, carry):
            f = c // JB
            base = L * lax.rem(c, JB)
            idf0_v[pl.ds(c * L, L)] = idr_v[f, pl.ds(base, L)]
            return carry

        def build1(c, carry):
            f = F0 + c // JB
            base = L * lax.rem(c, JB)
            idf1_v[pl.ds(c * L, L)] = idr_v[f, pl.ds(base, L)]
            return carry

        lax.fori_loop(0, n0 // L, build0, 0)
        lax.fori_loop(0, (CHUNK - n0) // L, build1, 0)
        idf0_v[pl.ds(n0, L)] = lax.iota(jnp.int32, L) * 0 + NFEAT
        tcp.wait()
        plsc.subcore_barrier()

        gcp0 = pltpu.async_copy(tab_sh.at[idf0_v], g0_v, gsem)
        gcp1 = pltpu.async_copy(tab_sh.at[idf1_v], g1_v, tsem)
        vcp.wait()
        gcp0.wait()

        bvec = g0_v[pl.ds(n0, L)]

        def fma0(jb, carry):
            base = jb * L
            acc = bvec
            for f in range(F0):
                acc = acc + g0_v[pl.ds(f * BPW + base, L)] * val_v[f, pl.ds(base, L)]
            out_v[pl.ds(base, L)] = acc
            return carry

        lax.fori_loop(0, JB, fma0, 0)
        gcp1.wait()

        def fma1(jb, carry):
            base = jb * L
            acc = out_v[pl.ds(base, L)]
            for f in range(F0, F):
                acc = acc + (g1_v[pl.ds((f - F0) * BPW + base, L)]
                             * val_v[f, pl.ds(base, L)])
            out_v[pl.ds(base, L)] = acc
            return carry

        lax.fori_loop(0, JB, fma1, 0)
        pltpu.sync_copy(out_v, out_hbm.at[pl.ds(w * BPW, BPW)])

    return body


def kernel(id, value, weight, bias):
    table = jnp.pad(weight, ((0, TPAD - NFEAT), (0, 0))).reshape(-1)
    return _make_sc_kernel()(id.T, value.T, table) + bias

# --- scband reference (transcript-rebuilt; emitter-appended) ---
"""Pipeline reference for scband-linear-24240795419251 (READ-ONLY COPY).

The authoritative reference and input builder live on the scoring server;
editing this copy changes nothing except your own understanding.
"""

import jax, jax.numpy as jnp
import numpy as np

NFEAT = 1000000
B = 16384
F = 26

def setup_inputs(seed: int = 0) -> dict:
    key = jax.random.key(seed)
    k1, k2, k3 = jax.random.split(key, 3)
    ids = jax.random.randint(k1, (B, F), 0, NFEAT, dtype=jnp.int64)
    value = jax.random.uniform(k2, (B, F), dtype=jnp.float32)
    weight = jax.random.normal(k3, (NFEAT, 1), dtype=jnp.float32) * 0.01
    bias = jnp.zeros((1,), dtype=jnp.float32)
    return {"id": ids, "value": value, "weight": weight, "bias": bias}

def reference(id, value, weight, bias):
    # weight(x['id']) -> [B, F, 1]; squeeze(2) -> [B, F]
    gathered = jnp.take(weight, id, axis=0)[:, :, 0]
    linear = gathered * value
    return jnp.sum(linear, axis=1) + bias

if __name__ == "__main__":
    import jax
    _d = setup_inputs()
    print(jax.jit(kernel)(*tuple(_d.values())))

</pallas_src>

<mosaic_0001>
#map = affine_map<(d0, d1) -> (0, 0)>
#map1 = affine_map<(d0, d1) -> (0)>
module attributes {stable_mosaic.version = 14 : i64} {
  func.func @body(%arg0: i32, %arg1: i32, %arg2: memref<26x16384xi32, #tpu.memory_space<hbm>>, %arg3: memref<26x16384xf32, #tpu.memory_space<hbm>>, %arg4: memref<1000448xf32, #tpu.memory_space<hbm>>, %arg5: memref<16384xf32, #tpu.memory_space<hbm>>, %arg6: memref<26x512xi32, #tpu.memory_space<vmem>>, %arg7: memref<6672xi32, #tpu.memory_space<vmem>>, %arg8: memref<6656xi32, #tpu.memory_space<vmem>>, %arg9: memref<6672xf32, #tpu.memory_space<vmem>>, %arg10: memref<6656xf32, #tpu.memory_space<vmem>>, %arg11: memref<26x512xf32, #tpu.memory_space<vmem>>, %arg12: memref<512xf32, #tpu.memory_space<vmem>>, %arg13: memref<1000448xf32, #tpu.memory_space<vmem_shared>>, %arg14: memref<!tpu.dma_semaphore, #tpu.memory_space<semaphore_mem>>, %arg15: memref<!tpu.dma_semaphore, #tpu.memory_space<semaphore_mem>>, %arg16: memref<!tpu.dma_semaphore, #tpu.memory_space<semaphore_mem>>) attributes {dimension_semantics = [#tpu.dimension_semantics<core_parallel>, #tpu.dimension_semantics<subcore_parallel>], iteration_bounds = array<i64: 2, 16>, scalar_prefetch = 0 : i64, scratch_operands = 11 : i64, tpu.core_type = #tpu.core_type<sc_vector_subcore>, window_params = [{transform_indices = #map}, {transform_indices = #map}, {transform_indices = #map1}, {transform_indices = #map1}]} {
    %mul3A = arith.constant 2 : i32
    %mul3A_0 = arith.muli %arg1, %mul3A : i32
    %add3A = arith.addi %mul3A_0, %arg0 : i32
    %mul3A_1 = arith.constant 512 : i32
    %mul3A_2 = arith.muli %add3A, %mul3A_1 : i32
    %dma_start3A = arith.constant 0 : i32
    %dma_start3A_3 = tpu.memref_slice %arg3[%dma_start3A, %mul3A_2] : memref<26x16384xf32, #tpu.memory_space<hbm>> -> memref<26x512xf32, #tpu.memory_space<hbm>>
    %dma_start3A_4 = arith.constant 0 : i32
    %dma_start3A_5 = tpu.memref_slice %arg3[%dma_start3A_4, %mul3A_2] : memref<26x16384xf32, #tpu.memory_space<hbm>> -> memref<26x512xf32, #tpu.memory_space<hbm>>
    tpu.enqueue_dma source(%dma_start3A_5 : memref<26x512xf32, #tpu.memory_space<hbm>>) target(%arg11 : memref<26x512xf32, #tpu.memory_space<vmem>>) target_semaphore(%arg15 : memref<!tpu.dma_semaphore, #tpu.memory_space<semaphore_mem>>)
    %mul3A_6 = arith.constant 62528 : i32
    %mul3A_7 = arith.muli %arg1, %mul3A_6 : i32
    %dma_start3A_8 = tpu.memref_slice %arg13[%mul3A_7] : memref<1000448xf32, #tpu.memory_space<vmem_shared>> -> memref<62528xf32, #tpu.memory_space<vmem_shared>>
    %dma_start3A_9 = tpu.memref_slice %arg4[%mul3A_7] : memref<1000448xf32, #tpu.memory_space<hbm>> -> memref<62528xf32, #tpu.memory_space<hbm>>
    tpu.enqueue_dma source(%dma_start3A_9 : memref<62528xf32, #tpu.memory_space<hbm>>) target(%dma_start3A_8 : memref<62528xf32, #tpu.memory_space<vmem_shared>>) target_semaphore(%arg16 : memref<!tpu.dma_semaphore, #tpu.memory_space<semaphore_mem>>)
    "tpu.region"() ({
      %run_scoped3A = tpu.sem_alloc : memref<!tpu.dma_semaphore, #tpu.memory_space<semaphore_mem>>
      %dma_start3A_56 = arith.constant 0 : i32
      %dma_start3A_57 = tpu.memref_slice %arg2[%dma_start3A_56, %mul3A_2] : memref<26x16384xi32, #tpu.memory_space<hbm>> -> memref<26x512xi32, #tpu.memory_space<hbm>>
      %dma_start3A_58 = arith.constant 0 : i32
      %dma_start3A_59 = tpu.memref_slice %arg2[%dma_start3A_58, %mul3A_2] : memref<26x16384xi32, #tpu.memory_space<hbm>> -> memref<26x512xi32, #tpu.memory_space<hbm>>
      tpu.enqueue_dma source(%dma_start3A_59 : memref<26x512xi32, #tpu.memory_space<hbm>>) target(%arg6 : memref<26x512xi32, #tpu.memory_space<vmem>>) target_semaphore(%run_scoped3A : memref<!tpu.dma_semaphore, #tpu.memory_space<semaphore_mem>>)
      %dma_wait3A_60 = arith.constant 0 : i32
      %dma_wait3A_61 = tpu.memref_slice %arg2[%dma_wait3A_60, %mul3A_2] : memref<26x16384xi32, #tpu.memory_space<hbm>> -> memref<26x512xi32, #tpu.memory_space<hbm>>
      %dma_wait3A_62 = arith.constant 0 : i32
      %dma_wait3A_63 = tpu.memref_slice %arg2[%dma_wait3A_62, %mul3A_2] : memref<26x16384xi32, #tpu.memory_space<hbm>> -> memref<26x512xi32, #tpu.memory_space<hbm>>
      tpu.wait_dma2 semaphore(%run_scoped3A : memref<!tpu.dma_semaphore, #tpu.memory_space<semaphore_mem>>) src(%dma_wait3A_63 : memref<26x512xi32, #tpu.memory_space<hbm>>) dst(%arg6 : memref<26x512xi32, #tpu.memory_space<vmem>>)
      tpu.yield
    }) : () -> ()
    %scan3A = arith.constant 0 : i32
    %scan3A_10 = arith.constant 0 : i32
    %scan3A_11 = arith.constant 416 : i32
    %scan3A_12 = arith.addi %scan3A_10, %scan3A_11 : i32
    %scan3A_13 = arith.constant 1 : i32
    scf.for %scan3A_56 = %scan3A_10 to %scan3A_12 step %scan3A_13  : i32 {
      %jit3A = arith.constant 32 : i32
      %div3A = arith.divsi %scan3A_56, %jit3A : i32
      %sign3A = arith.constant 0 : i32
      %sign3A_57 = arith.cmpi sgt, %scan3A_56, %sign3A : i32
      %sign3A_58 = arith.extui %sign3A_57 : i1 to i32
      %sign3A_59 = arith.constant 0 : i32
      %sign3A_60 = arith.cmpi slt, %scan3A_56, %sign3A_59 : i32
      %sign3A_61 = arith.extui %sign3A_60 : i1 to i32
      %sign3A_62 = arith.subi %sign3A_58, %sign3A_61 : i32
      %sign3A_63 = arith.constant 0 : i32
      %sign3A_64 = arith.cmpi sgt, %jit3A, %sign3A_63 : i32
      %sign3A_65 = arith.extui %sign3A_64 : i1 to i32
      %sign3A_66 = arith.constant 0 : i32
      %sign3A_67 = arith.cmpi slt, %jit3A, %sign3A_66 : i32
      %sign3A_68 = arith.extui %sign3A_67 : i1 to i32
      %sign3A_69 = arith.subi %sign3A_65, %sign3A_68 : i32
      %ne3A = arith.cmpi ne, %sign3A_62, %sign3A_69 : i32
      %rem3A = arith.remsi %scan3A_56, %jit3A : i32
      %ne3A_70 = arith.constant 0 : i32
      %ne3A_71 = arith.cmpi ne, %rem3A, %ne3A_70 : i32
      %and3A = arith.andi %ne3A, %ne3A_71 : i1
      %sub3A = arith.constant 1 : i32
      %sub3A_72 = arith.subi %div3A, %sub3A : i32
      %select_n3A = arith.select %and3A, %sub3A_72, %div3A : i32
      %rem3A_73 = arith.constant 32 : i32
      %rem3A_74 = arith.remsi %scan3A_56, %rem3A_73 : i32
      %mul3A_75 = arith.constant 16 : i32
      %mul3A_76 = arith.muli %mul3A_75, %rem3A_74 : i32
      %get3A_77 = arith.index_cast %select_n3A : i32 to index
      %get3A_78 = arith.index_cast %mul3A_76 : i32 to index
      %get3A_79 = tpu.vector_load %arg6[%get3A_77, %get3A_78] {strides = array<i32>} : memref<26x512xi32, #tpu.memory_space<vmem>>, vector<16xi32>,
      %mul3A_80 = arith.constant 16 : i32
      %mul3A_81 = arith.muli %scan3A_56, %mul3A_80 : i32
      %swap3A_82 = arith.index_cast %mul3A_81 : i32 to index
      %swap3A_83 = tpu.vector_load %arg7[%swap3A_82] {strides = array<i32>} : memref<6672xi32, #tpu.memory_space<vmem>>, vector<16xi32>,
      tpu.vector_store %arg7[%swap3A_82], %get3A_79 {strides = array<i32>} : memref<6672xi32, #tpu.memory_space<vmem>>, vector<16xi32>,
    }
    %scan3A_14 = arith.constant 416 : i32
    %scan3A_15 = arith.constant 0 : i32
    %scan3A_16 = arith.constant 0 : i32
    %scan3A_17 = arith.constant 416 : i32
    %scan3A_18 = arith.addi %scan3A_16, %scan3A_17 : i32
    %scan3A_19 = arith.constant 1 : i32
    scf.for %scan3A_56 = %scan3A_16 to %scan3A_18 step %scan3A_19  : i32 {
      %jit3A = arith.constant 32 : i32
      %div3A = arith.divsi %scan3A_56, %jit3A : i32
      %sign3A = arith.constant 0 : i32
      %sign3A_57 = arith.cmpi sgt, %scan3A_56, %sign3A : i32
      %sign3A_58 = arith.extui %sign3A_57 : i1 to i32
      %sign3A_59 = arith.constant 0 : i32
      %sign3A_60 = arith.cmpi slt, %scan3A_56, %sign3A_59 : i32
      %sign3A_61 = arith.extui %sign3A_60 : i1 to i32
      %sign3A_62 = arith.subi %sign3A_58, %sign3A_61 : i32
      %sign3A_63 = arith.constant 0 : i32
      %sign3A_64 = arith.cmpi sgt, %jit3A, %sign3A_63 : i32
      %sign3A_65 = arith.extui %sign3A_64 : i1 to i32
      %sign3A_66 = arith.constant 0 : i32
      %sign3A_67 = arith.cmpi slt, %jit3A, %sign3A_66 : i32
      %sign3A_68 = arith.extui %sign3A_67 : i1 to i32
      %sign3A_69 = arith.subi %sign3A_65, %sign3A_68 : i32
      %ne3A = arith.cmpi ne, %sign3A_62, %sign3A_69 : i32
      %rem3A = arith.remsi %scan3A_56, %jit3A : i32
      %ne3A_70 = arith.constant 0 : i32
      %ne3A_71 = arith.cmpi ne, %rem3A, %ne3A_70 : i32
      %and3A = arith.andi %ne3A, %ne3A_71 : i1
      %sub3A = arith.constant 1 : i32
      %sub3A_72 = arith.subi %div3A, %sub3A : i32
      %select_n3A = arith.select %and3A, %sub3A_72, %div3A : i32
      %add3A_73 = arith.constant 13 : i32
      %add3A_74 = arith.addi %add3A_73, %select_n3A : i32
      %rem3A_75 = arith.constant 32 : i32
      %rem3A_76 = arith.remsi %scan3A_56, %rem3A_75 : i32
      %mul3A_77 = arith.constant 16 : i32
      %mul3A_78 = arith.muli %mul3A_77, %rem3A_76 : i32
      %get3A_79 = arith.index_cast %add3A_74 : i32 to index
      %get3A_80 = arith.index_cast %mul3A_78 : i32 to index
      %get3A_81 = tpu.vector_load %arg6[%get3A_79, %get3A_80] {strides = array<i32>} : memref<26x512xi32, #tpu.memory_space<vmem>>, vector<16xi32>,
      %mul3A_82 = arith.constant 16 : i32
      %mul3A_83 = arith.muli %scan3A_56, %mul3A_82 : i32
      %swap3A_84 = arith.index_cast %mul3A_83 : i32 to index
      %swap3A_85 = tpu.vector_load %arg8[%swap3A_84] {strides = array<i32>} : memref<6656xi32, #tpu.memory_space<vmem>>, vector<16xi32>,
      tpu.vector_store %arg8[%swap3A_84], %get3A_81 {strides = array<i32>} : memref<6656xi32, #tpu.memory_space<vmem>>, vector<16xi32>,
    }
    %scan3A_20 = arith.constant 416 : i32
    %iota3A = tpu.iota {dimensions = array<i32: 0>} : vector<16xi32>
    %mul3A_21 = arith.constant 0 : i32
    %mul3A_22 = vector.broadcast %mul3A_21 : i32 to vector<16xi32>
    %mul3A_23 = arith.muli %iota3A, %mul3A_22 : vector<16xi32>
    %add3A_24 = arith.constant 1000000 : i32
    %add3A_25 = vector.broadcast %add3A_24 : i32 to vector<16xi32>
    %add3A_26 = arith.addi %mul3A_23, %add3A_25 : vector<16xi32>
    %swap3A = arith.constant 6656 : index
    %swap3A_27 = tpu.vector_load %arg7[%swap3A] {strides = array<i32>} : memref<6672xi32, #tpu.memory_space<vmem>>, vector<16xi32>,
    tpu.vector_store %arg7[%swap3A], %add3A_26 {strides = array<i32>} : memref<6672xi32, #tpu.memory_space<vmem>>, vector<16xi32>,
    %dma_wait3A = tpu.memref_slice %arg13[%mul3A_7] : memref<1000448xf32, #tpu.memory_space<vmem_shared>> -> memref<62528xf32, #tpu.memory_space<vmem_shared>>
    %dma_wait3A_28 = tpu.memref_slice %arg4[%mul3A_7] : memref<1000448xf32, #tpu.memory_space<hbm>> -> memref<62528xf32, #tpu.memory_space<hbm>>
    tpu.wait_dma2 semaphore(%arg16 : memref<!tpu.dma_semaphore, #tpu.memory_space<semaphore_mem>>) src(%dma_wait3A_28 : memref<62528xf32, #tpu.memory_space<hbm>>) dst(%dma_wait3A : memref<62528xf32, #tpu.memory_space<vmem_shared>>)
    %barrier3A = arith.constant 0 : index
    tpu.barrier barrier_id(%barrier3A)
    %dma_start3A_29 = arith.constant 0 : i32
    %dma_start3A_30 = tpu.memref_slice %arg13[%dma_start3A_29] : memref<1000448xf32, #tpu.memory_space<vmem_shared>> -> memref<1000448xf32, #tpu.memory_space<vmem_shared>>
    tpu.enqueue_indirect_dma source(%dma_start3A_30 : memref<1000448xf32, #tpu.memory_space<vmem_shared>>) target(%arg9 : memref<6672xf32, #tpu.memory_space<vmem>>) offsets(%arg7 : memref<6672xi32, #tpu.memory_space<vmem>>) semaphore(%arg14 : memref<!tpu.dma_semaphore, #tpu.memory_space<semaphore_mem>>)
    %dma_start3A_31 = arith.constant 0 : i32
    %dma_start3A_32 = tpu.memref_slice %arg13[%dma_start3A_31] : memref<1000448xf32, #tpu.memory_space<vmem_shared>> -> memref<1000448xf32, #tpu.memory_space<vmem_shared>>
    tpu.enqueue_indirect_dma source(%dma_start3A_32 : memref<1000448xf32, #tpu.memory_space<vmem_shared>>) target(%arg10 : memref<6656xf32, #tpu.memory_space<vmem>>) offsets(%arg8 : memref<6656xi32, #tpu.memory_space<vmem>>) semaphore(%arg16 : memref<!tpu.dma_semaphore, #tpu.memory_space<semaphore_mem>>)
    %dma_wait3A_33 = arith.constant 0 : i32
    %dma_wait3A_34 = tpu.memref_slice %arg3[%dma_wait3A_33, %mul3A_2] : memref<26x16384xf32, #tpu.memory_space<hbm>> -> memref<26x512xf32, #tpu.memory_space<hbm>>
    %dma_wait3A_35 = arith.constant 0 : i32
    %dma_wait3A_36 = tpu.memref_slice %arg3[%dma_wait3A_35, %mul3A_2] : memref<26x16384xf32, #tpu.memory_space<hbm>> -> memref<26x512xf32, #tpu.memory_space<hbm>>
    tpu.wait_dma2 semaphore(%arg15 : memref<!tpu.dma_semaphore, #tpu.memory_space<semaphore_mem>>) src(%dma_wait3A_36 : memref<26x512xf32, #tpu.memory_space<hbm>>) dst(%arg11 : memref<26x512xf32, #tpu.memory_space<vmem>>)
    %dma_wait3A_37 = arith.constant 0 : i32
    %dma_wait3A_38 = tpu.memref_slice %arg13[%dma_wait3A_37] : memref<1000448xf32, #tpu.memory_space<vmem_shared>> -> memref<1000448xf32, #tpu.memory_space<vmem_shared>>
    tpu.wait_indirect_dma semaphore(%arg14 : memref<!tpu.dma_semaphore, #tpu.memory_space<semaphore_mem>>) src(%dma_wait3A_38 : memref<1000448xf32, #tpu.memory_space<vmem_shared>>) dst(%arg9 : memref<6672xf32, #tpu.memory_space<vmem>>)
    %get3A = arith.constant 6656 : index
    %get3A_39 = tpu.vector_load %arg9[%get3A] {strides = array<i32>} : memref<6672xf32, #tpu.memory_space<vmem>>, vector<16xf32>,
    %scan3A_40 = arith.constant 0 : i32
    %scan3A_41 = arith.constant 0 : i32
    %scan3A_42 = arith.constant 32 : i32
    %scan3A_43 = arith.addi %scan3A_41, %scan3A_42 : i32
    %scan3A_44 = arith.constant 1 : i32
    scf.for %scan3A_56 = %scan3A_41 to %scan3A_43 step %scan3A_44  : i32 {
      %mul3A_57 = arith.constant 16 : i32
      %mul3A_58 = arith.muli %scan3A_56, %mul3A_57 : i32
      %add3A_59 = arith.constant 0 : i32
      %add3A_60 = arith.addi %add3A_59, %mul3A_58 : i32
      %get3A_61 = arith.index_cast %add3A_60 : i32 to index
      %get3A_62 = tpu.vector_load %arg9[%get3A_61] {strides = array<i32>} : memref<6672xf32, #tpu.memory_space<vmem>>, vector<16xf32>,
      %get3A_63 = arith.constant 0 : i32
      %get3A_64 = arith.index_cast %get3A_63 : i32 to index
      %get3A_65 = arith.index_cast %mul3A_58 : i32 to index
      %get3A_66 = tpu.vector_load %arg11[%get3A_64, %get3A_65] {strides = array<i32>} : memref<26x512xf32, #tpu.memory_space<vmem>>, vector<16xf32>,
      %mul3A_67 = arith.mulf %get3A_62, %get3A_66 : vector<16xf32>
      %add3A_68 = arith.addf %get3A_39, %mul3A_67 : vector<16xf32>
      %add3A_69 = arith.constant 512 : i32
      %add3A_70 = arith.addi %add3A_69, %mul3A_58 : i32
      %get3A_71 = arith.index_cast %add3A_70 : i32 to index
      %get3A_72 = tpu.vector_load %arg9[%get3A_71] {strides = array<i32>} : memref<6672xf32, #tpu.memory_space<vmem>>, vector<16xf32>,
      %get3A_73 = arith.constant 1 : i32
      %get3A_74 = arith.index_cast %get3A_73 : i32 to index
      %get3A_75 = arith.index_cast %mul3A_58 : i32 to index
      %get3A_76 = tpu.vector_load %arg11[%get3A_74, %get3A_75] {strides = array<i32>} : memref<26x512xf32, #tpu.memory_space<vmem>>, vector<16xf32>,
      %mul3A_77 = arith.mulf %get3A_72, %get3A_76 : vector<16xf32>
      %add3A_78 = arith.addf %add3A_68, %mul3A_77 : vector<16xf32>
      %add3A_79 = arith.constant 1024 : i32
      %add3A_80 = arith.addi %add3A_79, %mul3A_58 : i32
      %get3A_81 = arith.index_cast %add3A_80 : i32 to index
      %get3A_82 = tpu.vector_load %arg9[%get3A_81] {strides = array<i32>} : memref<6672xf32, #tpu.memory_space<vmem>>, vector<16xf32>,
      %get3A_83 = arith.constant 2 : i32
      %get3A_84 = arith.index_cast %get3A_83 : i32 to index
      %get3A_85 = arith.index_cast %mul3A_58 : i32 to index
      %get3A_86 = tpu.vector_load %arg11[%get3A_84, %get3A_85] {strides = array<i32>} : memref<26x512xf32, #tpu.memory_space<vmem>>, vector<16xf32>,
      %mul3A_87 = arith.mulf %get3A_82, %get3A_86 : vector<16xf32>
      %add3A_88 = arith.addf %add3A_78, %mul3A_87 : vector<16xf32>
      %add3A_89 = arith.constant 1536 : i32
      %add3A_90 = arith.addi %add3A_89, %mul3A_58 : i32
      %get3A_91 = arith.index_cast %add3A_90 : i32 to index
      %get3A_92 = tpu.vector_load %arg9[%get3A_91] {strides = array<i32>} : memref<6672xf32, #tpu.memory_space<vmem>>, vector<16xf32>,
      %get3A_93 = arith.constant 3 : i32
      %get3A_94 = arith.index_cast %get3A_93 : i32 to index
      %get3A_95 = arith.index_cast %mul3A_58 : i32 to index
      %get3A_96 = tpu.vector_load %arg11[%get3A_94, %get3A_95] {strides = array<i32>} : memref<26x512xf32, #tpu.memory_space<vmem>>, vector<16xf32>,
      %mul3A_97 = arith.mulf %get3A_92, %get3A_96 : vector<16xf32>
      %add3A_98 = arith.addf %add3A_88, %mul3A_97 : vector<16xf32>
      %add3A_99 = arith.constant 2048 : i32
      %add3A_100 = arith.addi %add3A_99, %mul3A_58 : i32
      %get3A_101 = arith.index_cast %add3A_100 : i32 to index
      %get3A_102 = tpu.vector_load %arg9[%get3A_101] {strides = array<i32>} : memref<6672xf32, #tpu.memory_space<vmem>>, vector<16xf32>,
      %get3A_103 = arith.constant 4 : i32
      %get3A_104 = arith.index_cast %get3A_103 : i32 to index
      %get3A_105 = arith.index_cast %mul3A_58 : i32 to index
      %get3A_106 = tpu.vector_load %arg11[%get3A_104, %get3A_105] {strides = array<i32>} : memref<26x512xf32, #tpu.memory_space<vmem>>, vector<16xf32>,
      %mul3A_107 = arith.mulf %get3A_102, %get3A_106 : vector<16xf32>
      %add3A_108 = arith.addf %add3A_98, %mul3A_107 : vector<16xf32>
      %add3A_109 = arith.constant 2560 : i32
      %add3A_110 = arith.addi %add3A_109, %mul3A_58 : i32
      %get3A_111 = arith.index_cast %add3A_110 : i32 to index
      %get3A_112 = tpu.vector_load %arg9[%get3A_111] {strides = array<i32>} : memref<6672xf32, #tpu.memory_space<vmem>>, vector<16xf32>,
      %get3A_113 = arith.constant 5 : i32
      %get3A_114 = arith.index_cast %get3A_113 : i32 to index
      %get3A_115 = arith.index_cast %mul3A_58 : i32 to index
      %get3A_116 = tpu.vector_load %arg11[%get3A_114, %get3A_115] {strides = array<i32>} : memref<26x512xf32, #tpu.memory_space<vmem>>, vector<16xf32>,
      %mul3A_117 = arith.mulf %get3A_112, %get3A_116 : vector<16xf32>
      %add3A_118 = arith.addf %add3A_108, %mul3A_117 : vector<16xf32>
      %add3A_119 = arith.constant 3072 : i32
      %add3A_120 = arith.addi %add3A_119, %mul3A_58 : i32
      %get3A_121 = arith.index_cast %add3A_120 : i32 to index
      %get3A_122 = tpu.vector_load %arg9[%get3A_121] {strides = array<i32>} : memref<6672xf32, #tpu.memory_space<vmem>>, vector<16xf32>,
      %get3A_123 = arith.constant 6 : i32
      %get3A_124 = arith.index_cast %get3A_123 : i32 to index
      %get3A_125 = arith.index_cast %mul3A_58 : i32 to index
      %get3A_126 = tpu.vector_load %arg11[%get3A_124, %get3A_125] {strides = array<i32>} : memref<26x512xf32, #tpu.memory_space<vmem>>, vector<16xf32>,
      %mul3A_127 = arith.mulf %get3A_122, %get3A_126 : vector<16xf32>
      %add3A_128 = arith.addf %add3A_118, %mul3A_127 : vector<16xf32>
      %add3A_129 = arith.constant 3584 : i32
      %add3A_130 = arith.addi %add3A_129, %mul3A_58 : i32
      %get3A_131 = arith.index_cast %add3A_130 : i32 to index
      %get3A_132 = tpu.vector_load %arg9[%get3A_131] {strides = array<i32>} : memref<6672xf32, #tpu.memory_space<vmem>>, vector<16xf32>,
      %get3A_133 = arith.constant 7 : i32
      %get3A_134 = arith.index_cast %get3A_133 : i32 to index
      %get3A_135 = arith.index_cast %mul3A_58 : i32 to index
      %get3A_136 = tpu.vector_load %arg11[%get3A_134, %get3A_135] {strides = array<i32>} : memref<26x512xf32, #tpu.memory_space<vmem>>, vector<16xf32>,
      %mul3A_137 = arith.mulf %get3A_132, %get3A_136 : vector<16xf32>
      %add3A_138 = arith.addf %add3A_128, %mul3A_137 : vector<16xf32>
      %add3A_139 = arith.constant 4096 : i32
      %add3A_140 = arith.addi %add3A_139, %mul3A_58 : i32
      %get3A_141 = arith.index_cast %add3A_140 : i32 to index
      %get3A_142 = tpu.vector_load %arg9[%get3A_141] {strides = array<i32>} : memref<6672xf32, #tpu.memory_space<vmem>>, vector<16xf32>,
      %get3A_143 = arith.constant 8 : i32
      %get3A_144 = arith.index_cast %get3A_143 : i32 to index
      %get3A_145 = arith.index_cast %mul3A_58 : i32 to index
      %get3A_146 = tpu.vector_load %arg11[%get3A_144, %get3A_145] {strides = array<i32>} : memref<26x512xf32, #tpu.memory_space<vmem>>, vector<16xf32>,
      %mul3A_147 = arith.mulf %get3A_142, %get3A_146 : vector<16xf32>
      %add3A_148 = arith.addf %add3A_138, %mul3A_147 : vector<16xf32>
      %add3A_149 = arith.constant 4608 : i32
      %add3A_150 = arith.addi %add3A_149, %mul3A_58 : i32
      %get3A_151 = arith.index_cast %add3A_150 : i32 to index
      %get3A_152 = tpu.vector_load %arg9[%get3A_151] {strides = array<i32>} : memref<6672xf32, #tpu.memory_space<vmem>>, vector<16xf32>,
      %get3A_153 = arith.constant 9 : i32
      %get3A_154 = arith.index_cast %get3A_153 : i32 to index
      %get3A_155 = arith.index_cast %mul3A_58 : i32 to index
      %get3A_156 = tpu.vector_load %arg11[%get3A_154, %get3A_155] {strides = array<i32>} : memref<26x512xf32, #tpu.memory_space<vmem>>, vector<16xf32>,
      %mul3A_157 = arith.mulf %get3A_152, %get3A_156 : vector<16xf32>
      %add3A_158 = arith.addf %add3A_148, %mul3A_157 : vector<16xf32>
      %add3A_159 = arith.constant 5120 : i32
      %add3A_160 = arith.addi %add3A_159, %mul3A_58 : i32
      %get3A_161 = arith.index_cast %add3A_160 : i32 to index
      %get3A_162 = tpu.vector_load %arg9[%get3A_161] {strides = array<i32>} : memref<6672xf32, #tpu.memory_space<vmem>>, vector<16xf32>,
      %get3A_163 = arith.constant 10 : i32
      %get3A_164 = arith.index_cast %get3A_163 : i32 to index
      %get3A_165 = arith.index_cast %mul3A_58 : i32 to index
      %get3A_166 = tpu.vector_load %arg11[%get3A_164, %get3A_165] {strides = array<i32>} : memref<26x512xf32, #tpu.memory_space<vmem>>, vector<16xf32>,
      %mul3A_167 = arith.mulf %get3A_162, %get3A_166 : vector<16xf32>
      %add3A_168 = arith.addf %add3A_158, %mul3A_167 : vector<16xf32>
      %add3A_169 = arith.constant 5632 : i32
      %add3A_170 = arith.addi %add3A_169, %mul3A_58 : i32
      %get3A_171 = arith.index_cast %add3A_170 : i32 to index
      %get3A_172 = tpu.vector_load %arg9[%get3A_171] {strides = array<i32>} : memref<6672xf32, #tpu.memory_space<vmem>>, vector<16xf32>,
      %get3A_173 = arith.constant 11 : i32
      %get3A_174 = arith.index_cast %get3A_173 : i32 to index
      %get3A_175 = arith.index_cast %mul3A_58 : i32 to index
      %get3A_176 = tpu.vector_load %arg11[%get3A_174, %get3A_175] {strides = array<i32>} : memref<26x512xf32, #tpu.memory_space<vmem>>, vector<16xf32>,
      %mul3A_177 = arith.mulf %get3A_172, %get3A_176 : vector<16xf32>
      %add3A_178 = arith.addf %add3A_168, %mul3A_177 : vector<16xf32>
      %add3A_179 = arith.constant 6144 : i32
      %add3A_180 = arith.addi %add3A_179, %mul3A_58 : i32
      %get3A_181 = arith.index_cast %add3A_180 : i32 to index
      %get3A_182 = tpu.vector_load %arg9[%get3A_181] {strides = array<i32>} : memref<6672xf32, #tpu.memory_space<vmem>>, vector<16xf32>,
      %get3A_183 = arith.constant 12 : i32
      %get3A_184 = arith.index_cast %get3A_183 : i32 to index
      %get3A_185 = arith.index_cast %mul3A_58 : i32 to index
      %get3A_186 = tpu.vector_load %arg11[%get3A_184, %get3A_185] {strides = array<i32>} : memref<26x512xf32, #tpu.memory_space<vmem>>, vector<16xf32>,
      %mul3A_187 = arith.mulf %get3A_182, %get3A_186 : vector<16xf32>
      %add3A_188 = arith.addf %add3A_178, %mul3A_187 : vector<16xf32>
      %swap3A_189 = arith.index_cast %mul3A_58 : i32 to index
      %swap3A_190 = tpu.vector_load %arg12[%swap3A_189] {strides = array<i32>} : memref<512xf32, #tpu.memory_space<vmem>>, vector<16xf32>,
      tpu.vector_store %arg12[%swap3A_189], %add3A_188 {strides = array<i32>} : memref<512xf32, #tpu.memory_space<vmem>>, vector<16xf32>,
    }
    %scan3A_45 = arith.constant 32 : i32
    %dma_wait3A_46 = arith.constant 0 : i32
    %dma_wait3A_47 = tpu.memref_slice %arg13[%dma_wait3A_46] : memref<1000448xf32, #tpu.memory_space<vmem_shared>> -> memref<1000448xf32, #tpu.memory_space<vmem_shared>>
    tpu.wait_indirect_dma semaphore(%arg16 : memref<!tpu.dma_semaphore, #tpu.memory_space<semaphore_mem>>) src(%dma_wait3A_47 : memref<1000448xf32, #tpu.memory_space<vmem_shared>>) dst(%arg10 : memref<6656xf32, #tpu.memory_space<vmem>>)
    %scan3A_48 = arith.constant 0 : i32
    %scan3A_49 = arith.constant 0 : i32
    %scan3A_50 = arith.constant 32 : i32
    %scan3A_51 = arith.addi %scan3A_49, %scan3A_50 : i32
    %scan3A_52 = arith.constant 1 : i32
    scf.for %scan3A_56 = %scan3A_49 to %scan3A_51 step %scan3A_52  : i32 {
      %mul3A_57 = arith.constant 16 : i32
      %mul3A_58 = arith.muli %scan3A_56, %mul3A_57 : i32
      %get3A_59 = arith.index_cast %mul3A_58 : i32 to index
      %get3A_60 = tpu.vector_load %arg12[%get3A_59] {strides = array<i32>} : memref<512xf32, #tpu.memory_space<vmem>>, vector<16xf32>,
      %add3A_61 = arith.constant 0 : i32
      %add3A_62 = arith.addi %add3A_61, %mul3A_58 : i32
      %get3A_63 = arith.index_cast %add3A_62 : i32 to index
      %get3A_64 = tpu.vector_load %arg10[%get3A_63] {strides = array<i32>} : memref<6656xf32, #tpu.memory_space<vmem>>, vector<16xf32>,
      %get3A_65 = arith.constant 13 : i32
      %get3A_66 = arith.index_cast %get3A_65 : i32 to index
      %get3A_67 = arith.index_cast %mul3A_58 : i32 to index
      %get3A_68 = tpu.vector_load %arg11[%get3A_66, %get3A_67] {strides = array<i32>} : memref<26x512xf32, #tpu.memory_space<vmem>>, vector<16xf32>,
      %mul3A_69 = arith.mulf %get3A_64, %get3A_68 : vector<16xf32>
      %add3A_70 = arith.addf %get3A_60, %mul3A_69 : vector<16xf32>
      %add3A_71 = arith.constant 512 : i32
      %add3A_72 = arith.addi %add3A_71, %mul3A_58 : i32
      %get3A_73 = arith.index_cast %add3A_72 : i32 to index
      %get3A_74 = tpu.vector_load %arg10[%get3A_73] {strides = array<i32>} : memref<6656xf32, #tpu.memory_space<vmem>>, vector<16xf32>,
      %get3A_75 = arith.constant 14 : i32
      %get3A_76 = arith.index_cast %get3A_75 : i32 to index
      %get3A_77 = arith.index_cast %mul3A_58 : i32 to index
      %get3A_78 = tpu.vector_load %arg11[%get3A_76, %get3A_77] {strides = array<i32>} : memref<26x512xf32, #tpu.memory_space<vmem>>, vector<16xf32>,
      %mul3A_79 = arith.mulf %get3A_74, %get3A_78 : vector<16xf32>
      %add3A_80 = arith.addf %add3A_70, %mul3A_79 : vector<16xf32>
      %add3A_81 = arith.constant 1024 : i32
      %add3A_82 = arith.addi %add3A_81, %mul3A_58 : i32
      %get3A_83 = arith.index_cast %add3A_82 : i32 to index
      %get3A_84 = tpu.vector_load %arg10[%get3A_83] {strides = array<i32>} : memref<6656xf32, #tpu.memory_space<vmem>>, vector<16xf32>,
      %get3A_85 = arith.constant 15 : i32
      %get3A_86 = arith.index_cast %get3A_85 : i32 to index
      %get3A_87 = arith.index_cast %mul3A_58 : i32 to index
      %get3A_88 = tpu.vector_load %arg11[%get3A_86, %get3A_87] {strides = array<i32>} : memref<26x512xf32, #tpu.memory_space<vmem>>, vector<16xf32>,
      %mul3A_89 = arith.mulf %get3A_84, %get3A_88 : vector<16xf32>
      %add3A_90 = arith.addf %add3A_80, %mul3A_89 : vector<16xf32>
      %add3A_91 = arith.constant 1536 : i32
      %add3A_92 = arith.addi %add3A_91, %mul3A_58 : i32
      %get3A_93 = arith.index_cast %add3A_92 : i32 to index
      %get3A_94 = tpu.vector_load %arg10[%get3A_93] {strides = array<i32>} : memref<6656xf32, #tpu.memory_space<vmem>>, vector<16xf32>,
      %get3A_95 = arith.constant 16 : i32
      %get3A_96 = arith.index_cast %get3A_95 : i32 to index
      %get3A_97 = arith.index_cast %mul3A_58 : i32 to index
      %get3A_98 = tpu.vector_load %arg11[%get3A_96, %get3A_97] {strides = array<i32>} : memref<26x512xf32, #tpu.memory_space<vmem>>, vector<16xf32>,
      %mul3A_99 = arith.mulf %get3A_94, %get3A_98 : vector<16xf32>
      %add3A_100 = arith.addf %add3A_90, %mul3A_99 : vector<16xf32>
      %add3A_101 = arith.constant 2048 : i32
      %add3A_102 = arith.addi %add3A_101, %mul3A_58 : i32
      %get3A_103 = arith.index_cast %add3A_102 : i32 to index
      %get3A_104 = tpu.vector_load %arg10[%get3A_103] {strides = array<i32>} : memref<6656xf32, #tpu.memory_space<vmem>>, vector<16xf32>,
      %get3A_105 = arith.constant 17 : i32
      %get3A_106 = arith.index_cast %get3A_105 : i32 to index
      %get3A_107 = arith.index_cast %mul3A_58 : i32 to index
      %get3A_108 = tpu.vector_load %arg11[%get3A_106, %get3A_107] {strides = array<i32>} : memref<26x512xf32, #tpu.memory_space<vmem>>, vector<16xf32>,
      %mul3A_109 = arith.mulf %get3A_104, %get3A_108 : vector<16xf32>
      %add3A_110 = arith.addf %add3A_100, %mul3A_109 : vector<16xf32>
      %add3A_111 = arith.constant 2560 : i32
      %add3A_112 = arith.addi %add3A_111, %mul3A_58 : i32
      %get3A_113 = arith.index_cast %add3A_112 : i32 to index
      %get3A_114 = tpu.vector_load %arg10[%get3A_113] {strides = array<i32>} : memref<6656xf32, #tpu.memory_space<vmem>>, vector<16xf32>,
      %get3A_115 = arith.constant 18 : i32
      %get3A_116 = arith.index_cast %get3A_115 : i32 to index
      %get3A_117 = arith.index_cast %mul3A_58 : i32 to index
      %get3A_118 = tpu.vector_load %arg11[%get3A_116, %get3A_117] {strides = array<i32>} : memref<26x512xf32, #tpu.memory_space<vmem>>, vector<16xf32>,
      %mul3A_119 = arith.mulf %get3A_114, %get3A_118 : vector<16xf32>
      %add3A_120 = arith.addf %add3A_110, %mul3A_119 : vector<16xf32>
      %add3A_121 = arith.constant 3072 : i32
      %add3A_122 = arith.addi %add3A_121, %mul3A_58 : i32
      %get3A_123 = arith.index_cast %add3A_122 : i32 to index
      %get3A_124 = tpu.vector_load %arg10[%get3A_123] {strides = array<i32>} : memref<6656xf32, #tpu.memory_space<vmem>>, vector<16xf32>,
      %get3A_125 = arith.constant 19 : i32
      %get3A_126 = arith.index_cast %get3A_125 : i32 to index
      %get3A_127 = arith.index_cast %mul3A_58 : i32 to index
      %get3A_128 = tpu.vector_load %arg11[%get3A_126, %get3A_127] {strides = array<i32>} : memref<26x512xf32, #tpu.memory_space<vmem>>, vector<16xf32>,
      %mul3A_129 = arith.mulf %get3A_124, %get3A_128 : vector<16xf32>
      %add3A_130 = arith.addf %add3A_120, %mul3A_129 : vector<16xf32>
      %add3A_131 = arith.constant 3584 : i32
      %add3A_132 = arith.addi %add3A_131, %mul3A_58 : i32
      %get3A_133 = arith.index_cast %add3A_132 : i32 to index
      %get3A_134 = tpu.vector_load %arg10[%get3A_133] {strides = array<i32>} : memref<6656xf32, #tpu.memory_space<vmem>>, vector<16xf32>,
      %get3A_135 = arith.constant 20 : i32
      %get3A_136 = arith.index_cast %get3A_135 : i32 to index
      %get3A_137 = arith.index_cast %mul3A_58 : i32 to index
      %get3A_138 = tpu.vector_load %arg11[%get3A_136, %get3A_137] {strides = array<i32>} : memref<26x512xf32, #tpu.memory_space<vmem>>, vector<16xf32>,
      %mul3A_139 = arith.mulf %get3A_134, %get3A_138 : vector<16xf32>
      %add3A_140 = arith.addf %add3A_130, %mul3A_139 : vector<16xf32>
      %add3A_141 = arith.constant 4096 : i32
      %add3A_142 = arith.addi %add3A_141, %mul3A_58 : i32
      %get3A_143 = arith.index_cast %add3A_142 : i32 to index
      %get3A_144 = tpu.vector_load %arg10[%get3A_143] {strides = array<i32>} : memref<6656xf32, #tpu.memory_space<vmem>>, vector<16xf32>,
      %get3A_145 = arith.constant 21 : i32
      %get3A_146 = arith.index_cast %get3A_145 : i32 to index
      %get3A_147 = arith.index_cast %mul3A_58 : i32 to index
      %get3A_148 = tpu.vector_load %arg11[%get3A_146, %get3A_147] {strides = array<i32>} : memref<26x512xf32, #tpu.memory_space<vmem>>, vector<16xf32>,
      %mul3A_149 = arith.mulf %get3A_144, %get3A_148 : vector<16xf32>
      %add3A_150 = arith.addf %add3A_140, %mul3A_149 : vector<16xf32>
      %add3A_151 = arith.constant 4608 : i32
      %add3A_152 = arith.addi %add3A_151, %mul3A_58 : i32
      %get3A_153 = arith.index_cast %add3A_152 : i32 to index
      %get3A_154 = tpu.vector_load %arg10[%get3A_153] {strides = array<i32>} : memref<6656xf32, #tpu.memory_space<vmem>>, vector<16xf32>,
      %get3A_155 = arith.constant 22 : i32
      %get3A_156 = arith.index_cast %get3A_155 : i32 to index
      %get3A_157 = arith.index_cast %mul3A_58 : i32 to index
      %get3A_158 = tpu.vector_load %arg11[%get3A_156, %get3A_157] {strides = array<i32>} : memref<26x512xf32, #tpu.memory_space<vmem>>, vector<16xf32>,
      %mul3A_159 = arith.mulf %get3A_154, %get3A_158 : vector<16xf32>
      %add3A_160 = arith.addf %add3A_150, %mul3A_159 : vector<16xf32>
      %add3A_161 = arith.constant 5120 : i32
      %add3A_162 = arith.addi %add3A_161, %mul3A_58 : i32
      %get3A_163 = arith.index_cast %add3A_162 : i32 to index
      %get3A_164 = tpu.vector_load %arg10[%get3A_163] {strides = array<i32>} : memref<6656xf32, #tpu.memory_space<vmem>>, vector<16xf32>,
      %get3A_165 = arith.constant 23 : i32
      %get3A_166 = arith.index_cast %get3A_165 : i32 to index
      %get3A_167 = arith.index_cast %mul3A_58 : i32 to index
      %get3A_168 = tpu.vector_load %arg11[%get3A_166, %get3A_167] {strides = array<i32>} : memref<26x512xf32, #tpu.memory_space<vmem>>, vector<16xf32>,
      %mul3A_169 = arith.mulf %get3A_164, %get3A_168 : vector<16xf32>
      %add3A_170 = arith.addf %add3A_160, %mul3A_169 : vector<16xf32>
      %add3A_171 = arith.constant 5632 : i32
      %add3A_172 = arith.addi %add3A_171, %mul3A_58 : i32
      %get3A_173 = arith.index_cast %add3A_172 : i32 to index
      %get3A_174 = tpu.vector_load %arg10[%get3A_173] {strides = array<i32>} : memref<6656xf32, #tpu.memory_space<vmem>>, vector<16xf32>,
      %get3A_175 = arith.constant 24 : i32
      %get3A_176 = arith.index_cast %get3A_175 : i32 to index
      %get3A_177 = arith.index_cast %mul3A_58 : i32 to index
      %get3A_178 = tpu.vector_load %arg11[%get3A_176, %get3A_177] {strides = array<i32>} : memref<26x512xf32, #tpu.memory_space<vmem>>, vector<16xf32>,
      %mul3A_179 = arith.mulf %get3A_174, %get3A_178 : vector<16xf32>
      %add3A_180 = arith.addf %add3A_170, %mul3A_179 : vector<16xf32>
      %add3A_181 = arith.constant 6144 : i32
      %add3A_182 = arith.addi %add3A_181, %mul3A_58 : i32
      %get3A_183 = arith.index_cast %add3A_182 : i32 to index
      %get3A_184 = tpu.vector_load %arg10[%get3A_183] {strides = array<i32>} : memref<6656xf32, #tpu.memory_space<vmem>>, vector<16xf32>,
      %get3A_185 = arith.constant 25 : i32
      %get3A_186 = arith.index_cast %get3A_185 : i32 to index
      %get3A_187 = arith.index_cast %mul3A_58 : i32 to index
      %get3A_188 = tpu.vector_load %arg11[%get3A_186, %get3A_187] {strides = array<i32>} : memref<26x512xf32, #tpu.memory_space<vmem>>, vector<16xf32>,
      %mul3A_189 = arith.mulf %get3A_184, %get3A_188 : vector<16xf32>
      %add3A_190 = arith.addf %add3A_180, %mul3A_189 : vector<16xf32>
      %swap3A_191 = arith.index_cast %mul3A_58 : i32 to index
      %swap3A_192 = tpu.vector_load %arg12[%swap3A_191] {strides = array<i32>} : memref<512xf32, #tpu.memory_space<vmem>>, vector<16xf32>,
      tpu.vector_store %arg12[%swap3A_191], %add3A_190 {strides = array<i32>} : memref<512xf32, #tpu.memory_space<vmem>>, vector<16xf32>,
    }
    %scan3A_53 = arith.constant 32 : i32
    %mul3A_54 = arith.constant 512 : i32
    %mul3A_55 = arith.muli %add3A, %mul3A_54 : i32
    "tpu.region"() ({
      %run_scoped3A = tpu.sem_alloc : memref<!tpu.dma_semaphore, #tpu.memory_space<semaphore_mem>>
      %dma_start3A_56 = tpu.memref_slice %arg5[%mul3A_55] : memref<16384xf32, #tpu.memory_space<hbm>> -> memref<512xf32, #tpu.memory_space<hbm>>
      %dma_start3A_57 = tpu.memref_slice %arg5[%mul3A_55] : memref<16384xf32, #tpu.memory_space<hbm>> -> memref<512xf32, #tpu.memory_space<hbm>>
      tpu.enqueue_dma source(%arg12 : memref<512xf32, #tpu.memory_space<vmem>>) target(%dma_start3A_57 : memref<512xf32, #tpu.memory_space<hbm>>) target_semaphore(%run_scoped3A : memref<!tpu.dma_semaphore, #tpu.memory_space<semaphore_mem>>)
      %dma_wait3A_58 = tpu.memref_slice %arg5[%mul3A_55] : memref<16384xf32, #tpu.memory_space<hbm>> -> memref<512xf32, #tpu.memory_space<hbm>>
      %dma_wait3A_59 = tpu.memref_slice %arg5[%mul3A_55] : memref<16384xf32, #tpu.memory_space<hbm>> -> memref<512xf32, #tpu.memory_space<hbm>>
      tpu.wait_dma2 semaphore(%run_scoped3A : memref<!tpu.dma_semaphore, #tpu.memory_space<semaphore_mem>>) src(%arg12 : memref<512xf32, #tpu.memory_space<vmem>>) dst(%dma_wait3A_59 : memref<512xf32, #tpu.memory_space<hbm>>)
      tpu.yield
    }) : () -> ()
    return
  }
}

</mosaic_0001>

<sc_bundles>
// kernel: kernel.3.cloned.1.call-start
scs
__scs_entry_jumppad:
0x0: {  	(pc) =	sbr.rel $0x88, $3  }
0x1: {  	(tag) =	ssettag $0x0;
	lr =	simm.s32 $0x1  }
0x2: {  	[smem:$0x3F9D] =	sst lr;
	_ =	strace $0xD0000000  }
0x3: {  	_ = 	snop  }
0x4: {  	_ = 	snop  }
0x5: {  	_ = 	snop  }
0x6: {  	_ = 	snop  }
0x7: {  	_ = 	snop  }
__scs_overlays_trampoline_lowered:
0x8: {  	[smem:$0x3FAC] =	sst s0  }
0x9: {  	[smem:$0x3FAD] =	sst s1  }
0xa: {  	[smem:$0x3FAE] =	sst s2  }
0xb: {  	[smem:$0x3FAF] =	sst s3  }
0xc: {  	[smem:$0x3FB0] =	sst s4  }
0xd: {  	[smem:$0x3FB1] =	sst s5  }
0xe: {  	[smem:$0x3FB2] =	sst s6  }
0xf: {  	[smem:$0x3FB3] =	sst s7  }
0x10: {  	[smem:$0x3FB4] =	sst s8  }
0x11: {  	[smem:$0x3FB5] =	sst s9;
	s0 =	simm.s32 @!p0 $0x0  }
0x12: {  	s1 =	sld [smem:$0x3F9B];
	s0 =	simm.s32 @p0 $0x1  }
0x13: {  	[smem:$0x3FB6] =	sst s0;
	s0 =	simm.s32 @!p1 $0x0  }
0x14: {  	s2 =	sld [smem:$0x3F9A];
	s0 =	simm.s32 @p1 $0x1  }
0x15: {  	[smem:$0x3FB7] =	sst s0;
	s0 =	simm.s32 @!p2 $0x0  }
0x16: {  	s3 =	sld [smem:$0x3FDB];
	s0 =	simm.s32 @p2 $0x1  }
0x17: {  	s4 =	simm.s32 $0x1BF5;
	[smem:$0x3FB9] =	sst s0  }
0x18: {  	s0 =	sld [smem:$0x3F9C];
	_ =	swait.ge [sflag:s4], $0x0  }
0x19: {  	s7 =	sld [smem:$0x3F9D]  }
0x1a: {  	s8 =	sadd.s32 $0xFFFFE003, lr  }
0x1b: {  	s9 =	sadd.s32 $0xFFFFFEF7, lr;
	s5 =	simm.s32 $0xFFFFFFFF;
	p2 =	slt.u32 s8, $0xFFFFF086  }
0x1c: {  	p1 =	slt.u32 s9, $0xF7A;
	s5 =	simm.s32 @!p2 $0x0  }
0x1d: {  	s5 =	simm.s32 @p1 $0x1;
	p0 =	seq.s32 s7, s2  }
0x1e: {  	s7 =	smul.u32 @!p0 $0xF7A, s2;
	p2 =	seq.s32 @!p0 s5, $0x0  }
0x1f: {  	s9 =	smul.u32 $0xF7A, s1;
	s8 =	simm.s32 @!p0 $0x1BF5;
	p2 =	por !p2, p0  }
0x20: {  	[sflag:s8] =	ssyncset.s32 @!p0 $0xFFFFF086;
	s6 =	sadd.s32 @!p0 s3, s7;
	s7 =	simm.s32 @!p0 $0x108  }
0x21: {  	s3 =	sadd.s32 s3, s9;
	s6 =	sadd.s32 @!p0 $0x88, s6;
	s7 =	simm.s32 @p2 $0x1082  }
0x22: {  	[simem:s7], [sflag:s8] =	dma.local @!p0 [hbm:s6], $0xF7A  }
0x23: {  	s9 =	sor.u32 $0xD0000000, s2;
	s6 =	simm.s32 $0x108;
	_ =	swait.ge @!p0 [sflag:s8], $0x0  }
0x24: {  	s3 =	sadd.s32 $0x88, s3;
	s6 =	simm.s32 @!p1 $0x1082;
	[sflag:s4] =	ssyncset.s32 $0xFFFFF086  }
0x25: {  	[simem:s6], [sflag:s4] =	dma.local [hbm:s3], $0xF7A  }
0x26: {  	[smem:$0x3F9D] =	sst s1;
	(tag) =	ssettag s2;
	_ =	strace s9  }
0x27: {  	s1 =	sld [smem:$0x3FAD]  }
0x28: {  	s2 =	sld [smem:$0x3FAE]  }
0x29: {  	s4 =	sld [smem:$0x3FB0]  }
0x2a: {  	p0 =	seq.s32 s5, $0x0;
	s5 =	sld [smem:$0x3FB1]  }
0x2b: {  	s6 =	sld [smem:$0x3FB2]  }
0x2c: {  	s7 =	sld [smem:$0x3FB3]  }
0x2d: {  	s3 =	simm.s32 $0x108;
	s8 =	sld [smem:$0x3FB4]  }
0x2e: {  	s3 =	simm.s32 @!p0 $0x1082;
	s9 =	sld [smem:$0x3FB5]  }
0x2f: {  	lr =	sadd.s32 s0, s3;
	s0 =	sld [smem:$0x3FAC]  }
0x30: {  	s3 =	sld [smem:$0x3FAF]  }
0x31: {  	[smem:$0x3FB8] =	sst s10  }
0x32: {  	s10 =	sld [smem:$0x3FB6];
	_ =	sdelay $0x3  }
0x33: {  	p0 =	seq.s32 s10, $0x1;
	s10 =	sld [smem:$0x3FB8];
	_ =	sdelay $0x3  }
0x34: {  	[smem:$0x3FB8] =	sst s10  }
0x35: {  	s10 =	sld [smem:$0x3FB7];
	_ =	sdelay $0x3  }
0x36: {  	p1 =	seq.s32 s10, $0x1;
	s10 =	sld [smem:$0x3FB8];
	_ =	sdelay $0x3  }
0x37: {  	[smem:$0x3FB8] =	sst s10  }
0x38: {  	s10 =	sld [smem:$0x3FB9]  }
0x39: {  	_ = 	snop;
	(pc) =	sbr.ind lr, $3  }
0x3a: {  	_ = 	snop  }
0x3b: {  	_ = 	snop  }
0x3c: {  	p2 =	seq.s32 s10, $0x1;
	s10 =	sld [smem:$0x3FB8]  }
0x3d: {  	_ =	shalt  }
0x3e: {  	_ =	shalt  }
0x3f: {  	_ =	shalt  }
0x40: {  	_ =	shalt  }
0x41: {  	_ =	shalt  }
0x42: {  	_ =	shalt  }
0x43: {  	_ =	shalt  }
0x44: {  	_ =	shalt  }
0x45: {  	_ =	shalt  }
0x46: {  	_ =	shalt  }
0x47: {  	_ =	shalt  }
0x48: {  	_ =	shalt  }
0x49: {  	_ =	shalt  }
0x4a: {  	_ =	shalt  }
0x4b: {  	_ =	shalt  }
0x4c: {  	_ =	shalt  }
0x4d: {  	_ =	shalt  }
0x4e: {  	_ =	shalt  }
0x4f: {  	_ =	shalt  }
0x50: {  	_ =	shalt  }
0x51: {  	_ =	shalt  }
0x52: {  	_ =	shalt  }
0x53: {  	_ =	shalt  }
0x54: {  	_ =	shalt  }
0x55: {  	_ =	shalt  }
0x56: {  	_ =	shalt  }
0x57: {  	_ =	shalt  }
0x58: {  	_ =	shalt  }
0x59: {  	_ =	shalt  }
0x5a: {  	_ =	shalt  }
0x5b: {  	_ =	shalt  }
0x5c: {  	_ =	shalt  }
0x5d: {  	_ =	shalt  }
0x5e: {  	_ =	shalt  }
0x5f: {  	_ =	shalt  }
0x60: {  	_ =	shalt  }
0x61: {  	_ =	shalt  }
0x62: {  	_ =	shalt  }
0x63: {  	_ =	shalt  }
0x64: {  	_ =	shalt  }
0x65: {  	_ =	shalt  }
0x66: {  	_ =	shalt  }
0x67: {  	_ =	shalt  }
0x68: {  	_ =	shalt  }
0x69: {  	_ =	shalt  }
0x6a: {  	_ =	shalt  }
0x6b: {  	_ =	shalt  }
0x6c: {  	_ =	shalt  }
0x6d: {  	_ =	shalt  }
0x6e: {  	_ =	shalt  }
0x6f: {  	_ =	shalt  }
0x70: {  	_ =	shalt  }
0x71: {  	_ =	shalt  }
0x72: {  	_ =	shalt  }
0x73: {  	_ =	shalt  }
0x74: {  	_ =	shalt  }
0x75: {  	_ =	shalt  }
0x76: {  	_ =	shalt  }
0x77: {  	_ =	shalt  }
0x78: {  	_ =	shalt  }
0x79: {  	_ =	shalt  }
0x7a: {  	_ =	shalt  }
0x7b: {  	_ =	shalt  }
0x7c: {  	_ =	shalt  }
0x7d: {  	_ =	shalt  }
0x7e: {  	_ =	shalt  }
0x7f: {  	_ =	shalt  }
0x80: {  	_ =	shalt  }
0x81: {  	_ =	shalt  }
0x82: {  	_ =	shalt  }
0x83: {  	_ =	shalt  }
0x84: {  	_ =	shalt  }
0x85: {  	_ =	shalt  }
0x86: {  	_ =	shalt  }
0x87: {  	_ =	shalt  }
.Lfunc_end0:
.L_simem_size_0:
called_computation_lowered:
.L_overlay_start_0:
0x88: {  	s2 =	sld [smem:$0x3FD9]  }
0x89: {  	s3 =	sld [smem:$0x3FFE];
	_ =	sdelay $0x1  }
0x8a: {  	s1 =	srdreg.scid  }
0x8b: {  	s0 =	sand.u32 $0x1, s1  }
0x8c: {  	s17 =	sshll.u32 s0, $0xA;
	s2 =	sadd.s32 s3, s2  }
0x8d: {  	s2 =	sadd.s32 s2, s17  }
0x8e: {  	[smem:$0x3FC4] =	sst s2  }
0x8f: {  	_ = 	snop  }
0x90: {  	s2 =	sld [smem:$0x3FD0];
	(tm) =	ssettm $0x1  }
0x91: {  	s18 =	sld [smem:$0x3FFB];
	_ =	sdelay $0x3  }
0x92: {  	_ =	strace s18  }
0x93: {  	s3 =	sld [smem:$0x3FFC];
	_ =	sdelay $0x3  }
0x94: {  	_ =	strace s3  }
0x95: {  	s3 =	sld [smem:$0x3FFD];
	_ =	sdelay $0x3  }
0x96: {  	_ =	strace s3  }
0x97: {  	_ =	strace $0x8FFFFFFF  }
0x98: {  	s19 =	sld [smem:$0x3FDB];
	_ =	sdelay $0x1  }
0x99: {  	s4 =	simm.s32 $_scs_section_size  }
0x9a: {  	s5 =	simm.s32 $_size__tile_overlayer_lowered;
	s6 =	simm.s32 $_tile_overlayer_lowered  }
0x9b: {  	s22 =	simm.s32 $0x1BFF;
	s21 =	sshll.u32 s6, $0x1;
	s3 =	sadd.s32 s4, s19  }
0x9c: {  	s7 =	simm.s32 $0x0;
	s20 =	sshll.u32 s5, $0x1;
	s5 =	sadd.s32 s21, s3  }
0x9d: {  	[timem:s7], [sflag:s22] =	dma.local [hbm:s5], s20  }
0x9e: {  	_ =	swait.ge [sflag:s22], s20  }
0x9f: {  	s4 =	ssub.s32 $0x0, s20;
	[sflag:s22] =	ssyncset.done $0x0  }
0xa0: {  	[sflag:s22] =	ssyncadd.s32 s4;
	_ =	sdelay $0x1  }
0xa1: {  	s23 =	simm.s32 $0x1B8B  }
0xa2: {  	_ =	swait.ge [sflag:s23], $0x1  }
0xa3: {  	[sflag:s23] =	ssyncset.done $0x0  }
0xa4: {  	s25 =	simm.s32 $0x1B8E;
	s24 =	sld [smem:$0x3FFE];
	[sflag:s23] =	ssyncadd.s32 $0xFFFFFFFF  }
0xa5: {  	s26 =	simm.s32 $execute0_lowered;
	[smem:$0x3FD2] =	sst s25  }
0xa6: {  	s5 =	sshll.u32 s26, $0x1;
	_ =	strace $0x80000046;
	[dreg:$0x1] =	wrdreg $0xFFFFFFFF  }
0xa7: {  	s28 =	simm.s32 $_size_execute0_lowered;
	s3 =	sadd.s32 s3, s5;
	[dreg:$0x0] =	wrdreg $0x0  }
0xa8: {  	s5 =	sshll.u32 s28, $0x1;
	[dreg:$0x2] =	wrdreg s3  }
0xa9: {  	[dreg:$0x3] =	wrdreg s5  }
0xaa: {  	[dreg:$0x4] =	wrdreg $0xC0  }
0xab: {  	_ =	task [dreg:s7], $0x5FFFF  }
0xac: {  	[dreg:$0x1] =	wrdreg $0xFFFFFFFF  }
0xad: {  	[dreg:$0x0] =	wrdreg $0x60  }
0xae: {  	[dreg:$0x2] =	wrdreg s24  }
0xaf: {  	[dreg:$0x3] =	wrdreg s2  }
0xb0: {  	[dreg:$0x4] =	wrdreg $0xD2200  }
0xb1: {  	[dreg:$0x5] =	wrdreg $0x9  }
0xb2: {  	_ =	task.clear_ibuf [dreg:s7], $0x6FFFF;
	_ =	strace $0x90000046  }
0xb3: {  	s29 =	simm.s32 $0x9;
	_ =	strace $0x80000048  }
0xb4: {  	_ =	swait.ge [sflag:s29], $0x1  }
0xb5: {  	[sflag:s29] =	ssyncadd.s32 $0xFFFFFFFF  }
0xb6: {  	_ =	strace $0x90000048  }
0xb7: {  	_ =	sfence  }
0xb8: {  	s30 =	sld [smem:$0x0];
	_ =	sdelay $0x2  }
0xb9: {  	s31 =	sshll.u32 s1, $0xD;
	s1 =	sshrl.u32 s1, $0x2  }
0xba: {  	s3 =	sand.u32 $0x4000, s31;
	s1 =	sadd.s32 s1, s30  }
0xbb: {  	s0 =	sor.u32 s3, s0;
	s1 =	sshll.u32 s1, $0x11  }
0xbc: {  	s0 =	sor.u32 s1, s0  }
0xbd: {  	s0 =	sadd.s32 $0x8F2B, s0  }
0xbe: {  	[sflag:s0] =	ssyncadd.remote.s32 $0x1  }
0xbf: {  	_ =	sfence.sel $0xFFFF  }
0xc0: {  	[dreg:$0x0] =	wrdreg $0xFFFFFFFF;
	(pc) =	sbr.abs _section_cstart, $3  }
0xc1: {  	[dreg:$0x1] =	wrdreg $0xFFFFFFFF  }
0xc2: {  	_ =	task.clear_ibuf [dreg:s7], $0x2FFFF;
	_ =	strace $0x9FFFFFFF  }
0xc3: {  	(tm) =	ssettm $0x7FFFFFFF  }
tec
execute0_lowered:
.L_overlay_start_1:
0x0: {  	(tag) =	ssettag $0x1  }
0x1: {  	s4 =	rddreg [dreg:$0x0]  }
0x2: {  	s8 =	rddreg [dreg:$0x1]  }
0x3: {  	s1 =	rddreg [dreg:$0x2]  }
0x4: {  	s0 =	rddreg [dreg:$0x3];
	s3 =	simm.s32 $0x0  }
0x5: {  	s5 =	srdreg.scid;
	s2 =	stileid.u32;
	s12 =	simm.s32 $0x9C20  }
0x6: {  	s14 =	simm.s32 $0x4;
	s15 =	simm.s32 $0x3;
	s16 =	simm.s32 $0x1A10  }
0x7: {  	s17 =	simm.s32 $0x3400;
	s18 =	simm.s32 $0x6810;
	s19 =	simm.s32 $0x1A00  }
0x8: {  	s20 =	simm.s32 $0x4E10;
	s21 =	simm.s32 $0x8220;
	s22 =	simm.s32 $0x2  }
0x9: {  	s23 =	simm.s32 $0x1;
	s24 =	simm.s32 $0xD020;
	s25 =	simm.s32 $0x0  }
0xa: {  	[smem:$0x7FF] =	sst s3;
	s5 =	sand.u32 $0x1, s5;
	s6 =	smul.u32 $0xF440, s2  }
0xb: {  	s7 =	sshll.u32 s2, $0x7;
	s31 =	sshll.u32 s2, $0x6;
	s9 =	sshll.u32 s5, $0x6  }
0xc: {  	_ =	strace $0x80000047;
	s5 =	ssub.s32 $0x2, s5;
	s9 =	sor.u32 s9, s7  }
0xd: {  	s30 =	sshrl.u32 s6, $0x3;
	s10 =	sshrl.u32 s5, $0x1;
	s13 =	sadd.s32 s6, s1  }
0xe: {  	s6 =	sor.u32 $0x1C03, s31;
	s11 =	sadd.s32 s9, s4;
	s7 =	sadd.s32 s30, s4  }
0xf: {  	s10 =	ssub.s32 s5, s10;
	s8 =	sadd.s32 s8, s9;
	s13 =	sshrl.u32 s13, $0x3  }
0x10: {  	s4 =	sadd.s32 $0x800, s11;
	s5 =	sadd.s32 $0x1A800, s7;
	s7 =	sadd.s32 $0xD800, s11  }
0x11: {  	v0 =	vimm.s32 $0xF4240;
	s9 =	smax.u32 s10, $0x1;
	s10 =	simm.s32 $0x200;
	s11 =	simm.s32 $0x4000  }
.LBB2_1:
0x12: {  	[tilespmem:s12], [sflag:$0x2] =	stream.strided.gather [hbm4b:s4+s10], $0x3400, s11, s10, $0x38;
	[tilespmem:$0x1C660] =	vst v63  }
0x13: {  	[spmem:s13], [sflag:s6] =	dma.local [hbm:s5], $0x1E88  }
0x14: {  	[tilespmem:s3], [sflag:$0x4] =	stream.strided.gather [hbm4b:s7+s10], $0x3400, s11, s10, $0x38;
	[tilespmem:$0x1C660] =	vst v63  }
0x15: {  	_ =	swait.ge [sflag:s14], $0x3400  }
0x16: {  	s26 =	sand.u32 $0x7FC0, s3;
	[sflag:s14] =	ssyncset.done $0x0  }
0x17: {  	s28 =	sshrl.u32 s26, $0x2;
	[sflag:s14] =	ssyncadd.s32 $0xFFFFCC00  }
0x18: {  	v1 =	vld [tilespmem:s28+$0x0];
	_ =	sdelay $0x1  }
0x19: {  	s26 =	simm.s32 $0x40;
	s28 =	simm.s32 $0x0  }
.LBB2_2:
0x1a: {  	s29 =	sand.u32 $0x7FC0, s26  }
0x1b: {  	p0 =	sne.s32 s26, $0x67C0;
	s30 =	smov.u32 s26;
	s26 =	sadd.s32 $0x40, s26  }
.Ltmp0:
0x1c: {  	s29 =	sshrl.u32 s29, $0x2;
	[tilespmem:s28+$0x3400] =	vst v1;
	(pc) =	sbr.rel @p0 .LBB2_2-.Ltmp0, $2  }
0x1d: {  	v1 =	vld [tilespmem:s29+$0x0];
	_ =	sdelay $0x2  }
0x1e: {  	s28 =	sshra.s32 s30, $0x2  }
0x1f: {  	s26 =	simm.s32 $0x0  }
0x20: {  	s26 =	sand.u32 $0x7FC0, s26  }
0x21: {  	[tilespmem:s28+$0x3400] =	vst v1;
	s28 =	sshrl.u32 s26, $0x2  }
0x22: {  	v1 =	vld [tilespmem:s28+$0x1A00];
	_ =	sdelay $0x1  }
0x23: {  	s26 =	simm.s32 $0x40;
	s28 =	simm.s32 $0x0  }
.LBB2_4:
0x24: {  	s29 =	sand.u32 $0x7FC0, s26  }
0x25: {  	p0 =	sne.s32 s26, $0x67C0;
	s30 =	smov.u32 s26;
	s26 =	sadd.s32 $0x40, s26  }
.Ltmp1:
0x26: {  	s29 =	sshrl.u32 s29, $0x2;
	[tilespmem:s28+$0x4E10] =	vst v1;
	(pc) =	sbr.rel @p0 .LBB2_4-.Ltmp1, $2  }
0x27: {  	v1 =	vld [tilespmem:s29+$0x1A00];
	_ =	sdelay $0x2  }
0x28: {  	s28 =	sshra.s32 s30, $0x2  }
0x29: {  	_ = 	snop  }
0x2a: {  	[tilespmem:s28+$0x4E10] =	vst v1  }
0x2b: {  	[tilespmem:$0x4E00] =	vst v0  }
0x2c: {  	_ =	swait.ge [sflag:s15], $0x1E88  }
0x2d: {  	[sflag:s15] =	ssyncset.done $0x0  }
0x2e: {  	[sflag:s15] =	ssyncadd.s32 $0xFFFFE178  }
0x2f: {  	[bflag:$0x0] =	sbarrier.arrive $0xFFFF  }
0x30: {  	[tilespmem:s18], [sflag:$0x1] =	stream.indirect.gather [spmem:s1], $0x1, s17, s16, $0xb8;
	[tilespmem:$0x1C660] =	vst v63  }
0x31: {  	_ = 	snop  }
0x32: {  	[tilespmem:s21], [sflag:$0x3] =	stream.indirect.gather [spmem:s1], $0x1, s20, s19, $0xb8;
	[tilespmem:$0x1C660] =	vst v63  }
0x33: {  	_ =	swait.ge [sflag:s22], $0x3400  }
0x34: {  	[sflag:s22] =	ssyncset.done $0x0  }
0x35: {  	[sflag:s22] =	ssyncadd.s32 $0xFFFFCC00  }
0x36: {  	_ =	swait.ge [sflag:s23], $0x1A10  }
0x37: {  	[sflag:s23] =	ssyncset.done $0x0  }
0x38: {  	[sflag:s23] =	ssyncadd.s32 $0xFFFFE5F0  }
0x39: {  	s26 =	simm.s32 $0x0;
	v1 =	vld [tilespmem:$0x8210]  }
0x3a: {  	v2 =	vld [tilespmem:s26+$0x6810]  }
0x3b: {  	v3 =	vld [tilespmem:s26+$0x9C20]  }
0x3c: {  	v4 =	vld [tilespmem:s26+$0x6A10]  }
0x3d: {  	v5 =	vld [tilespmem:s26+$0x9E20]  }
0x3e: {  	v6 =	vld [tilespmem:s26+$0x6C10]  }
0x3f: {  	v7 =	vld [tilespmem:s26+$0xA020]  }
0x40: {  	v8 =	vld [tilespmem:s26+$0xA220];
	v2 =	vmul.f32 v3, v2  }
0x41: {  	v3 =	vld [tilespmem:s26+$0x6E10]  }
0x42: {  	v9 =	vld [tilespmem:s26+$0xA420];
	v4 =	vmul.f32 v5, v4;
	v2 =	vadd.f32 v2, v1  }
0x43: {  	v5 =	vld [tilespmem:s26+$0x7010]  }
0x44: {  	v2 =	vadd.f32 v4, v2;
	v4 =	vmul.f32 v7, v6;
	v6 =	vld [tilespmem:s26+$0x7210]  }
0x45: {  	v7 =	vld [tilespmem:s26+$0xA620]  }
0x46: {  	v3 =	vmul.f32 v8, v3;
	v8 =	vld [tilespmem:s26+$0xA820];
	v2 =	vadd.f32 v4, v2  }
0x47: {  	v4 =	vld [tilespmem:s26+$0x7410]  }
0x48: {  	v2 =	vadd.f32 v3, v2;
	v3 =	vmul.f32 v9, v5;
	v5 =	vld [tilespmem:s26+$0x7610]  }
0x49: {  	v9 =	vld [tilespmem:s26+$0xAA20]  }
0x4a: {  	v2 =	vadd.f32 v3, v2;
	v3 =	vmul.f32 v7, v6;
	v6 =	vld [tilespmem:s26+$0x7810]  }
0x4b: {  	v7 =	vld [tilespmem:s26+$0xAC20]  }
0x4c: {  	v2 =	vadd.f32 v3, v2;
	v3 =	vmul.f32 v8, v4;
	v4 =	vld [tilespmem:s26+$0x7A10]  }
0x4d: {  	v8 =	vld [tilespmem:s26+$0xAE20]  }
0x4e: {  	v10 =	vld [tilespmem:s26+$0xB020];
	v2 =	vadd.f32 v3, v2;
	v3 =	vmul.f32 v9, v5  }
0x4f: {  	v9 =	vld [tilespmem:s26+$0x7C10]  }
0x50: {  	v5 =	vld [tilespmem:s26+$0xB220];
	v6 =	vmul.f32 v7, v6;
	v3 =	vadd.f32 v3, v2  }
0x51: {  	v2 =	vld [tilespmem:s26+$0x7E10]  }
0x52: {  	v8 =	vmul.f32 v8, v4;
	v7 =	vadd.f32 v6, v3;
	v3 =	vld [tilespmem:s26+$0x8010]  }
0x53: {  	s28 =	simm.s32 $0x10;
	v6 =	vld [tilespmem:s26+$0xB420]  }
0x54: {  	s29 =	simm.s32 $0x80;
	v4 =	vld [tilespmem:s28+$0x6810];
	v7 =	vadd.f32 v8, v7;
	v8 =	vmul.f32 v10, v9  }
.LBB2_6:
0x55: {  	p0 =	sne.s32 s29, $0x7C0;
	v9 =	vld [tilespmem:s28+$0x9C20]  }
0x56: {  	v10 =	vld [tilespmem:s28+$0x6A10];
	v7 =	vadd.f32 v8, v7;
	v2 =	vmul.f32 v5, v2  }
0x57: {  	v5 =	vld [tilespmem:s28+$0x9E20]  }
0x58: {  	v8 =	vld [tilespmem:s28+$0x6C10];
	v2 =	vadd.f32 v2, v7;
	v3 =	vmul.f32 v6, v3  }
0x59: {  	v6 =	vld [tilespmem:s28+$0xA020]  }
0x5a: {  	v4 =	vmul.f32 v9, v4;
	v7 =	vld [tilespmem:s28+$0x6E10];
	v2 =	vadd.f32 v3, v2  }
0x5b: {  	v3 =	vld [tilespmem:s28+$0xA220]  }
0x5c: {  	v4 =	vadd.f32 v4, v1;
	v5 =	vmul.f32 v5, v10;
	v9 =	vld [tilespmem:s28+$0x7010];
	[tilespmem:s26+$0xD020] =	vst v2;
	s26 =	smov.u32 s28  }
0x5d: {  	v2 =	vld [tilespmem:s26+$0xA420]  }
0x5e: {  	v4 =	vadd.f32 v5, v4;
	v5 =	vmul.f32 v6, v8;
	v6 =	vld [tilespmem:s26+$0x7210]  }
0x5f: {  	v8 =	vld [tilespmem:s26+$0xA620]  }
0x60: {  	v4 =	vadd.f32 v5, v4;
	v3 =	vmul.f32 v3, v7;
	v5 =	vld [tilespmem:s26+$0x7410]  }
0x61: {  	v7 =	vld [tilespmem:s26+$0xA820]  }
0x62: {  	v3 =	vadd.f32 v3, v4;
	v2 =	vmul.f32 v2, v9;
	v4 =	vld [tilespmem:s26+$0x7610]  }
0x63: {  	v9 =	vld [tilespmem:s26+$0xAA20]  }
0x64: {  	v2 =	vadd.f32 v2, v3;
	v3 =	vmul.f32 v8, v6;
	v6 =	vld [tilespmem:s26+$0x7810]  }
0x65: {  	v8 =	vld [tilespmem:s26+$0xAC20]  }
0x66: {  	v2 =	vadd.f32 v3, v2;
	v3 =	vmul.f32 v7, v5;
	v7 =	vld [tilespmem:s26+$0x7A10]  }
0x67: {  	v10 =	vld [tilespmem:s26+$0xAE20]  }
0x68: {  	v2 =	vadd.f32 v3, v2;
	v3 =	vmul.f32 v9, v4;
	v9 =	vld [tilespmem:s26+$0x7C10]  }
0x69: {  	v11 =	vld [tilespmem:s26+$0xB020]  }
.Ltmp2:
0x6a: {  	v3 =	vadd.f32 v3, v2;
	v4 =	vmul.f32 v8, v6;
	v2 =	vld [tilespmem:s26+$0x7E10];
	(pc) =	sbr.rel @p0 .LBB2_6-.Ltmp2, $4  }
0x6b: {  	v5 =	vld [tilespmem:s26+$0xB220]  }
0x6c: {  	v8 =	vadd.f32 v4, v3;
	v7 =	vmul.f32 v10, v7;
	v3 =	vld [tilespmem:s26+$0x8010]  }
0x6d: {  	s28 =	sshra.s32 s29, $0x2;
	v6 =	vld [tilespmem:s26+$0xB420]  }
0x6e: {  	s29 =	sadd.s32 $0x40, s29;
	v4 =	vld [tilespmem:s28+$0x6810];
	v7 =	vadd.f32 v7, v8;
	v8 =	vmul.f32 v11, v9  }
0x6f: {  	v9 =	vld [tilespmem:s28+$0x9C20]  }
0x70: {  	v10 =	vld [tilespmem:s28+$0x6A10];
	v7 =	vadd.f32 v8, v7;
	v2 =	vmul.f32 v5, v2  }
0x71: {  	v5 =	vld [tilespmem:s28+$0x9E20]  }
0x72: {  	v40 =	vld [tilespmem:s28+$0x6C10];
	v2 =	vadd.f32 v2, v7;
	v3 =	vmul.f32 v6, v3  }
0x73: {  	v41 =	vld [tilespmem:s28+$0xA020]  }
0x74: {  	v42 =	vld [tilespmem:s28+$0x6E10];
	v4 =	vmul.f32 v9, v4;
	v2 =	vadd.f32 v3, v2  }
0x75: {  	v3 =	vld [tilespmem:s28+$0xA220]  }
0x76: {  	v43 =	vld [tilespmem:s28+$0x7010];
	v1 =	vadd.f32 v4, v1;
	v4 =	vmul.f32 v5, v10;
	[tilespmem:s26+$0xD020] =	vst v2  }
0x77: {  	v2 =	vld [tilespmem:s28+$0xA420]  }
0x78: {  	v5 =	vld [tilespmem:s28+$0x7210];
	v1 =	vadd.f32 v4, v1;
	v4 =	vmul.f32 v41, v40  }
0x79: {  	v44 =	vld [tilespmem:s28+$0xA620]  }
0x7a: {  	v45 =	vld [tilespmem:s28+$0xA820];
	v3 =	vmul.f32 v3, v42;
	v1 =	vadd.f32 v4, v1  }
0x7b: {  	v4 =	vld [tilespmem:s28+$0x7410]  }
0x7c: {  	v46 =	vld [tilespmem:s28+$0xAA20];
	v1 =	vadd.f32 v3, v1;
	v2 =	vmul.f32 v2, v43  }
0x7d: {  	v3 =	vld [tilespmem:s28+$0x7610]  }
0x7e: {  	v47 =	vld [tilespmem:s28+$0xAC20];
	v1 =	vadd.f32 v2, v1;
	v2 =	vmul.f32 v44, v5  }
0x7f: {  	v5 =	vld [tilespmem:s28+$0x7810]  }
0x80: {  	v48 =	vld [tilespmem:s28+$0xAE20];
	v1 =	vadd.f32 v2, v1;
	v2 =	vmul.f32 v45, v4  }
0x81: {  	v4 =	vld [tilespmem:s28+$0x7A10]  }
0x82: {  	v49 =	vld [tilespmem:s28+$0xB020];
	v1 =	vadd.f32 v2, v1;
	v2 =	vmul.f32 v46, v3  }
0x83: {  	v3 =	vld [tilespmem:s28+$0x7C10]  }
0x84: {  	v50 =	vld [tilespmem:s28+$0xB220];
	v1 =	vadd.f32 v2, v1;
	v2 =	vmul.f32 v47, v5  }
0x85: {  	v5 =	vld [tilespmem:s28+$0x7E10]  }
0x86: {  	v51 =	vld [tilespmem:s28+$0xB420];
	v1 =	vadd.f32 v2, v1;
	v2 =	vmul.f32 v48, v4  }
0x87: {  	v4 =	vld [tilespmem:s28+$0x8010]  }
0x88: {  	v1 =	vadd.f32 v2, v1;
	v2 =	vmul.f32 v49, v3;
	_ =	sdelay $0x1  }
0x89: {  	v1 =	vadd.f32 v2, v1;
	v2 =	vmul.f32 v50, v5;
	_ =	sdelay $0x1  }
0x8a: {  	v1 =	vadd.f32 v2, v1;
	v2 =	vmul.f32 v51, v4;
	_ =	sdelay $0x1  }
0x8b: {  	v1 =	vadd.f32 v2, v1;
	_ =	sdelay $0x1  }
0x8c: {  	[tilespmem:s28+$0xD020] =	vst v1  }
0x8d: {  	_ =	swait.ge [sflag:s15], $0x1A00  }
0x8e: {  	[sflag:s15] =	ssyncset.done $0x0  }
0x8f: {  	s26 =	simm.s32 $0x0;
	[sflag:s15] =	ssyncadd.s32 $0xFFFFE600  }
0x90: {  	v1 =	vld [tilespmem:s26+$0x8420]  }
0x91: {  	v2 =	vld [tilespmem:s26+$0x8220]  }
0x92: {  	v3 =	vld [tilespmem:s26+$0xB620]  }
0x93: {  	v4 =	vld [tilespmem:s26+$0xB820]  }
0x94: {  	v5 =	vld [tilespmem:s26+$0xD020]  }
0x95: {  	v52 =	vld [tilespmem:s26+$0x8620]  }
0x96: {  	v53 =	vld [tilespmem:s26+$0xBA20]  }
0x97: {  	v54 =	vld [tilespmem:s26+$0xBC20];
	v2 =	vmul.f32 v3, v2  }
0x98: {  	v3 =	vld [tilespmem:s26+$0x8820]  }
0x99: {  	v1 =	vmul.f32 v4, v1;
	v4 =	vld [tilespmem:s26+$0x8A20];
	v2 =	vadd.f32 v2, v5  }
0x9a: {  	v5 =	vld [tilespmem:s26+$0xBE20]  }
0x9b: {  	v55 =	vld [tilespmem:s26+$0x8C20];
	v1 =	vadd.f32 v1, v2;
	v2 =	vmul.f32 v53, v52  }
0x9c: {  	v56 =	vld [tilespmem:s26+$0xC020]  }
0x9d: {  	v57 =	vld [tilespmem:s26+$0xC220];
	v1 =	vadd.f32 v2, v1;
	v2 =	vmul.f32 v54, v3  }
0x9e: {  	v3 =	vld [tilespmem:s26+$0x8E20]  }
0x9f: {  	v1 =	vadd.f32 v2, v1;
	v2 =	vmul.f32 v5, v4;
	v4 =	vld [tilespmem:s26+$0x9020]  }
0xa0: {  	v5 =	vld [tilespmem:s26+$0xC420]  }
0xa1: {  	v58 =	vld [tilespmem:s26+$0x9220];
	v1 =	vadd.f32 v2, v1;
	v2 =	vmul.f32 v56, v55  }
0xa2: {  	v59 =	vld [tilespmem:s26+$0xC620]  }
0xa3: {  	v60 =	vld [tilespmem:s26+$0xC820];
	v1 =	vadd.f32 v2, v1;
	v2 =	vmul.f32 v57, v3  }
0xa4: {  	v3 =	vld [tilespmem:s26+$0x9420]  }
0xa5: {  	v1 =	vadd.f32 v2, v1;
	v2 =	vmul.f32 v5, v4;
	v4 =	vld [tilespmem:s26+$0x9620]  }
0xa6: {  	v5 =	vld [tilespmem:s26+$0xCA20]  }
0xa7: {  	v61 =	vld [tilespmem:s26+$0x9820];
	v1 =	vadd.f32 v2, v1;
	v2 =	vmul.f32 v59, v58  }
0xa8: {  	v62 =	vld [tilespmem:s26+$0xCC20]  }
0xa9: {  	v63 =	vld [tilespmem:s26+$0xCE20];
	v1 =	vadd.f32 v2, v1;
	v2 =	vmul.f32 v60, v3  }
0xaa: {  	v3 =	vld [tilespmem:s26+$0x9A20]  }
0xab: {  	v1 =	vadd.f32 v2, v1;
	v2 =	vmul.f32 v5, v4;
	_ =	sdelay $0x1  }
0xac: {  	v1 =	vadd.f32 v2, v1;
	v2 =	vmul.f32 v62, v61;
	_ =	sdelay $0x1  }
0xad: {  	s29 =	simm.s32 $0x10;
	v3 =	vmul.f32 v63, v3;
	v4 =	vadd.f32 v2, v1  }
0xae: {  	v1 =	vld [tilespmem:s29+$0x8420]  }
0xaf: {  	s28 =	simm.s32 $0x80;
	v2 =	vld [tilespmem:s29+$0x8220];
	v3 =	vadd.f32 v3, v4  }
.LBB2_8:
0xb0: {  	p0 =	sne.s32 s28, $0x7C0;
	v4 =	vld [tilespmem:s29+$0xB620]  }
0xb1: {  	v5 =	vld [tilespmem:s29+$0xB820];
	[tilespmem:s26+$0xD020] =	vst v3;
	s26 =	smov.u32 s29  }
0xb2: {  	v3 =	vld [tilespmem:s26+$0xD020]  }
0xb3: {  	v6 =	vld [tilespmem:s26+$0x8620]  }
0xb4: {  	v7 =	vld [tilespmem:s26+$0xBA20]  }
0xb5: {  	v2 =	vmul.f32 v4, v2;
	v4 =	vld [tilespmem:s26+$0x8820]  }
0xb6: {  	v8 =	vld [tilespmem:s26+$0xBC20]  }
0xb7: {  	v1 =	vmul.f32 v5, v1;
	v2 =	vadd.f32 v2, v3;
	v3 =	vld [tilespmem:s26+$0x8A20]  }
0xb8: {  	v5 =	vld [tilespmem:s26+$0xBE20]  }
0xb9: {  	v1 =	vadd.f32 v1, v2;
	v2 =	vmul.f32 v7, v6;
	v6 =	vld [tilespmem:s26+$0x8C20]  }
0xba: {  	v7 =	vld [tilespmem:s26+$0xC020]  }
0xbb: {  	v1 =	vadd.f32 v2, v1;
	v2 =	vmul.f32 v8, v4;
	v4 =	vld [tilespmem:s26+$0x8E20]  }
0xbc: {  	v8 =	vld [tilespmem:s26+$0xC220]  }
0xbd: {  	v1 =	vadd.f32 v2, v1;
	v2 =	vmul.f32 v5, v3;
	v3 =	vld [tilespmem:s26+$0x9020]  }
0xbe: {  	v5 =	vld [tilespmem:s26+$0xC420]  }
0xbf: {  	v1 =	vadd.f32 v2, v1;
	v2 =	vmul.f32 v7, v6;
	v6 =	vld [tilespmem:s26+$0x9220]  }
0xc0: {  	v7 =	vld [tilespmem:s26+$0xC620]  }
0xc1: {  	v1 =	vadd.f32 v2, v1;
	v2 =	vmul.f32 v8, v4;
	v4 =	vld [tilespmem:s26+$0x9420]  }
0xc2: {  	v8 =	vld [tilespmem:s26+$0xC820]  }
0xc3: {  	v1 =	vadd.f32 v2, v1;
	v2 =	vmul.f32 v5, v3;
	v3 =	vld [tilespmem:s26+$0x9620]  }
0xc4: {  	v5 =	vld [tilespmem:s26+$0xCA20]  }
0xc5: {  	v1 =	vadd.f32 v2, v1;
	v2 =	vmul.f32 v7, v6;
	v6 =	vld [tilespmem:s26+$0x9820]  }
0xc6: {  	v7 =	vld [tilespmem:s26+$0xCC20]  }
0xc7: {  	v1 =	vadd.f32 v2, v1;
	v2 =	vmul.f32 v8, v4;
	v4 =	vld [tilespmem:s26+$0x9A20]  }
0xc8: {  	v8 =	vld [tilespmem:s26+$0xCE20]  }
0xc9: {  	v1 =	vadd.f32 v2, v1;
	v2 =	vmul.f32 v5, v3;
	_ =	sdelay $0x1  }
.Ltmp3:
0xca: {  	v1 =	vadd.f32 v2, v1;
	v2 =	vmul.f32 v7, v6;
	(pc) =	sbr.rel @p0 .LBB2_8-.Ltmp3, $4  }
0xcb: {  	_ = 	snop  }
0xcc: {  	s29 =	sshra.s32 s28, $0x2;
	v3 =	vadd.f32 v2, v1;
	v4 =	vmul.f32 v8, v4  }
0xcd: {  	v1 =	vld [tilespmem:s29+$0x8420]  }
0xce: {  	s28 =	sadd.s32 $0x40, s28;
	v2 =	vld [tilespmem:s29+$0x8220];
	v3 =	vadd.f32 v4, v3  }
0xcf: {  	v4 =	vld [tilespmem:s29+$0xB620]  }
0xd0: {  	v5 =	vld [tilespmem:s29+$0xB820];
	[tilespmem:s26+$0xD020] =	vst v3  }
0xd1: {  	v3 =	vld [tilespmem:s29+$0xD020]  }
0xd2: {  	v6 =	vld [tilespmem:s29+$0x8620]  }
0xd3: {  	v7 =	vld [tilespmem:s29+$0xBA20]  }
0xd4: {  	v48 =	vld [tilespmem:s29+$0x8820];
	v2 =	vmul.f32 v4, v2  }
0xd5: {  	v8 =	vld [tilespmem:s29+$0xBC20]  }
0xd6: {  	v49 =	vld [tilespmem:s29+$0xBE20];
	v1 =	vmul.f32 v5, v1;
	v2 =	vadd.f32 v2, v3  }
0xd7: {  	v3 =	vld [tilespmem:s29+$0x8A20]  }
0xd8: {  	v50 =	vld [tilespmem:s29+$0x8C20];
	v1 =	vadd.f32 v1, v2;
	v2 =	vmul.f32 v7, v6  }
0xd9: {  	v51 =	vld [tilespmem:s29+$0xC020]  }
0xda: {  	v52 =	vld [tilespmem:s29+$0x8E20];
	v1 =	vadd.f32 v2, v1;
	v2 =	vmul.f32 v8, v48  }
0xdb: {  	v53 =	vld [tilespmem:s29+$0xC220]  }
0xdc: {  	v54 =	vld [tilespmem:s29+$0xC420];
	v1 =	vadd.f32 v2, v1;
	v2 =	vmul.f32 v49, v3  }
0xdd: {  	v3 =	vld [tilespmem:s29+$0x9020]  }
0xde: {  	v55 =	vld [tilespmem:s29+$0x9220];
	v1 =	vadd.f32 v2, v1;
	v2 =	vmul.f32 v51, v50  }
0xdf: {  	v56 =	vld [tilespmem:s29+$0xC620]  }
0xe0: {  	v57 =	vld [tilespmem:s29+$0x9420];
	v1 =	vadd.f32 v2, v1;
	v2 =	vmul.f32 v53, v52  }
0xe1: {  	v58 =	vld [tilespmem:s29+$0xC820]  }
0xe2: {  	v59 =	vld [tilespmem:s29+$0xCA20];
	v1 =	vadd.f32 v2, v1;
	v2 =	vmul.f32 v54, v3  }
0xe3: {  	v3 =	vld [tilespmem:s29+$0x9620]  }
0xe4: {  	v60 =	vld [tilespmem:s29+$0x9820];
	v1 =	vadd.f32 v2, v1;
	v2 =	vmul.f32 v56, v55  }
0xe5: {  	v61 =	vld [tilespmem:s29+$0xCC20]  }
0xe6: {  	v62 =	vld [tilespmem:s29+$0x9A20];
	v1 =	vadd.f32 v2, v1;
	v2 =	vmul.f32 v58, v57  }
0xe7: {  	v63 =	vld [tilespmem:s29+$0xCE20]  }
0xe8: {  	v1 =	vadd.f32 v2, v1;
	v2 =	vmul.f32 v59, v3;
	_ =	sdelay $0x1  }
0xe9: {  	v1 =	vadd.f32 v2, v1;
	v2 =	vmul.f32 v61, v60;
	_ =	sdelay $0x1  }
0xea: {  	v1 =	vadd.f32 v2, v1;
	v2 =	vmul.f32 v63, v62;
	_ =	sdelay $0x1  }
0xeb: {  	s25 =	sadd.s32 $0x1, s25;
	v1 =	vadd.f32 v2, v1  }
0xec: {  	p0 =	sne.s32 s25, s9  }
.Ltmp4:
0xed: {  	[tilespmem:s29+$0xD020] =	vst v1;
	(pc) =	sbr.rel @p0 .LBB2_1-.Ltmp4, $4  }
0xee: {  	[hbm4b:s8+s3] =	stream.linear.scatter [tilespmem:s24], [sflag:$0x4], $0x200, $0x38;
	[tilespmem:$0x1C660] =	vst v63  }
0xef: {  	_ =	swait.ge [sflag:s14], $0x200  }
0xf0: {  	[sflag:s14] =	ssyncset.done $0x0  }
0xf1: {  	[sflag:s14] =	ssyncadd.s32 $0xFFFFFE00  }
0xf2: {  	_ =	sfence.sel $0x180000  }
0xf3: {  	[bflag:$0x0] =	sbarrier.arrive $0xFFFF  }
0xf4: {  	p0 =	sne.s32 s2, $0x0;
	_ =	strace $0x90000047  }
0xf5: {  	s0 =	sadd.s32 @!p0 $0x100000, s0;
	[bflag:$0x2] =	sbarrier.arrive $0xFFFF  }
0xf6: {  	[sflag:s0] =	ssyncadd.tile.s32 @!p0 $0x1;
	_ =	shalt  }
.Lfunc_end2:
_tile_overlayer_lowered:
.L_overlay_start_2:
0xf7: {  	(tag) =	ssettag $0x2  }
0xf8: {  	s0 =	rddreg [dreg:$0x0];
	s2 =	stileid.u32  }
0xf9: {  	s1 =	rddreg [dreg:$0x1];
	p0 =	sne.s32 s2, $0x0  }
0xfa: {  	s3 =	rddreg [dreg:$0x2];
	[bflag:$0x3] =	sbarrier.arrive $0xFFFF;
	s2 =	simm.s32 @!p0 $0x1C04  }
0xfb: {  	[timem:s3], [sflag:s2] =	dma.local @!p0 [hbm:s0], s1  }
0xfc: {  	s0 =	simm.s32 @!p0 $0x4  }
0xfd: {  	_ =	swait.ge @!p0 [sflag:s0], s1  }
0xfe: {  	s1 =	ssub.s32 @!p0 $0x0, s1;
	[sflag:s0] =	ssyncset.done @!p0 $0x0  }
0xff: {  	[sflag:s0] =	ssyncadd.s32 @!p0 s1  }
0x100: {  	[bflag:$0x3] =	sbarrier.arrive $0xFFFF  }
0x101: {  	_ =	shalt  }

</sc_bundles>
